<compile_context>
chip_gen: v7x
topology: tpu7x:2x2x1
jax: 0.10.2.dev20260603
libtpu: 0.0.44.dev20260713+nightly
codegen_flags: <defaults>
</compile_context>

<pallas_src>
import functools

import jax
import jax.numpy as jnp
from jax import lax
from jax.experimental import pallas as pl
from jax.experimental.pallas import tpu as pltpu
from jax.experimental.pallas import tpu_sc as plsc

ALPHA = 8
FRAMES = 32


def _fast_body(x_ref, fast_ref):
    fast_ref[...] = x_ref[...]


_SC_MESH = plsc.VectorSubcoreMesh(core_axis_name="c", subcore_axis_name="s")


def _slow_body(x_hbm, slow_hbm, buf):
    wid = lax.axis_index("s") * 2 + lax.axis_index("c")

    @pl.when(wid < 24)
    def _():
        ch = wid // ALPHA
        s = wid % ALPHA
        pltpu.sync_copy(x_hbm.at[ch, 9 * s], buf)
        pltpu.sync_copy(buf, slow_hbm.at[ch, s])


def kernel(x):
    C, T, H, W = x.shape
    G = T // ALPHA
    slow_fn = pl.kernel(
        _slow_body,
        out_type=jax.ShapeDtypeStruct((C, G, H, W), x.dtype),
        mesh=_SC_MESH,
        scratch_types=[pltpu.VMEM((H, W), x.dtype)],
        cost_estimate=pl.CostEstimate(
            flops=0,
            transcendentals=0,
            bytes_accessed=2 * C * G * H * W * 4,
        ),
    )
    slow = slow_fn(x)
    fast = pl.pallas_call(
        _fast_body,
        grid=(C, T // FRAMES),
        in_specs=[pl.BlockSpec((1, FRAMES, H, W), lambda c, h: (c, h, 0, 0))],
        out_specs=pl.BlockSpec((1, FRAMES, H, W), lambda c, h: (c, h, 0, 0)),
        out_shape=jax.ShapeDtypeStruct((C, T, H, W), x.dtype),
    )(x)
    return (slow, fast)

# --- scband reference (transcript-rebuilt; emitter-appended) ---
"""Pipeline reference for scband-pack-slow-fast-pathway-52450140619404 (READ-ONLY COPY).

The authoritative reference and input builder live on the scoring server;
editing this copy changes nothing except your own understanding.
"""

import jax, jax.numpy as jnp
import numpy as np

ALPHA = 8

def setup_inputs(seed: int = 0) -> dict:
    key = jax.random.key(seed)
    x = jax.random.normal(key, (3, 64, 224, 224), dtype=jnp.float32)
    return {"x": x}

def reference(x):
    # Faithful translation of PackSlowFastPathway.forward / pack_pathway.
    T = x.shape[1]
    # torch.linspace(0, T-1, T//alpha).long() -> truncating cast to integer
    idx = jnp.linspace(0.0, T - 1, T // ALPHA).astype(jnp.int32)
    slow_pathway = jnp.take(x, idx, axis=1)
    fast_pathway = x
    return (slow_pathway, fast_pathway)

if __name__ == "__main__":
    import jax
    _d = setup_inputs()
    print(jax.jit(kernel)(*tuple(_d.values())))

</pallas_src>

<mosaic_0001>
#map = affine_map<(d0, d1) -> (0, 0, 0, 0)>
module attributes {stable_mosaic.version = 14 : i64} {
  func.func @_slow_body(%arg0: i32, %arg1: i32, %arg2: memref<3x64x224x224xf32, #tpu.memory_space<hbm>>, %arg3: memref<3x8x224x224xf32, #tpu.memory_space<hbm>>, %arg4: memref<224x224xf32, #tpu.memory_space<vmem>>) attributes {dimension_semantics = [#tpu.dimension_semantics<core_parallel>, #tpu.dimension_semantics<subcore_parallel>], iteration_bounds = array<i64: 2, 16>, scalar_prefetch = 0 : i64, scratch_operands = 1 : i64, tpu.core_type = #tpu.core_type<sc_vector_subcore>, window_params = [{transform_indices = #map}, {transform_indices = #map}]} {
    %mul3A = arith.constant 2 : i32
    %mul3A_0 = arith.muli %arg1, %mul3A : i32
    %add3A = arith.addi %mul3A_0, %arg0 : i32
    %lt3A = arith.constant 24 : i32
    %lt3A_1 = arith.cmpi slt, %add3A, %lt3A : i32
    %convert_element_type3A = arith.extui %lt3A_1 : i1 to i32
    %cond3A = arith.constant 0 : i32
    %cond3A_2 = arith.cmpi ne, %convert_element_type3A, %cond3A : i32
    scf.if %cond3A_2 {
      %jit3A = arith.constant 8 : i32
      %div3A = arith.divsi %add3A, %jit3A : i32
      %sign3A = arith.constant 0 : i32
      %sign3A_3 = arith.cmpi sgt, %add3A, %sign3A : i32
      %sign3A_4 = arith.extui %sign3A_3 : i1 to i32
      %sign3A_5 = arith.constant 0 : i32
      %sign3A_6 = arith.cmpi slt, %add3A, %sign3A_5 : i32
      %sign3A_7 = arith.extui %sign3A_6 : i1 to i32
      %sign3A_8 = arith.subi %sign3A_4, %sign3A_7 : i32
      %sign3A_9 = arith.constant 0 : i32
      %sign3A_10 = arith.cmpi sgt, %jit3A, %sign3A_9 : i32
      %sign3A_11 = arith.extui %sign3A_10 : i1 to i32
      %sign3A_12 = arith.constant 0 : i32
      %sign3A_13 = arith.cmpi slt, %jit3A, %sign3A_12 : i32
      %sign3A_14 = arith.extui %sign3A_13 : i1 to i32
      %sign3A_15 = arith.subi %sign3A_11, %sign3A_14 : i32
      %ne3A = arith.cmpi ne, %sign3A_8, %sign3A_15 : i32
      %rem3A = arith.remsi %add3A, %jit3A : i32
      %ne3A_16 = arith.constant 0 : i32
      %ne3A_17 = arith.cmpi ne, %rem3A, %ne3A_16 : i32
      %and3A = arith.andi %ne3A, %ne3A_17 : i1
      %sub3A = arith.constant 1 : i32
      %sub3A_18 = arith.subi %div3A, %sub3A : i32
      %select_n3A = arith.select %and3A, %sub3A_18, %div3A : i32
      %jit3A_19 = arith.constant 8 : i32
      %eq3A = arith.constant 0 : i32
      %eq3A_20 = arith.cmpi eq, %jit3A_19, %eq3A : i32
      %jit3A_21 = arith.constant 1 : i32
      %select_n3A_22 = arith.select %eq3A_20, %jit3A_21, %jit3A_19 : i32
      %rem3A_23 = arith.remsi %add3A, %select_n3A_22 : i32
      %ne3A_24 = arith.constant 0 : i32
      %ne3A_25 = arith.cmpi ne, %rem3A_23, %ne3A_24 : i32
      %lt3A_26 = arith.constant 0 : i32
      %lt3A_27 = arith.cmpi slt, %rem3A_23, %lt3A_26 : i32
      %lt3A_28 = arith.constant 0 : i32
      %lt3A_29 = arith.cmpi slt, %select_n3A_22, %lt3A_28 : i32
      %ne3A_30 = arith.xori %lt3A_27, %lt3A_29 : i1
      %and3A_31 = arith.andi %ne3A_30, %ne3A_25 : i1
      %add3A_32 = arith.addi %rem3A_23, %select_n3A_22 : i32
      %select_n3A_33 = arith.select %and3A_31, %add3A_32, %rem3A_23 : i32
      %mul3A_34 = arith.constant 9 : i32
      %mul3A_35 = arith.muli %mul3A_34, %select_n3A_33 : i32
      "tpu.region"() ({
        %run_scoped3A = tpu.sem_alloc : memref<!tpu.dma_semaphore, #tpu.memory_space<semaphore_mem>>
        %dma_start3A = arith.constant 0 : i32
        %dma_start3A_36 = arith.constant 0 : i32
        %dma_start3A_37 = tpu.memref_slice %arg2[%select_n3A, %mul3A_35, %dma_start3A, %dma_start3A_36] : memref<3x64x224x224xf32, #tpu.memory_space<hbm>> -> memref<1x1x224x224xf32, #tpu.memory_space<hbm>>
        %dma_start3A_38 = tpu.memref_squeeze %dma_start3A_37 : memref<1x1x224x224xf32, #tpu.memory_space<hbm>> -> memref<224x224xf32, #tpu.memory_space<hbm>>
        %dma_start3A_39 = arith.constant 0 : i32
        %dma_start3A_40 = arith.constant 0 : i32
        %dma_start3A_41 = tpu.memref_slice %arg2[%select_n3A, %mul3A_35, %dma_start3A_39, %dma_start3A_40] : memref<3x64x224x224xf32, #tpu.memory_space<hbm>> -> memref<1x1x224x224xf32, #tpu.memory_space<hbm>>
        %dma_start3A_42 = tpu.memref_squeeze %dma_start3A_41 : memref<1x1x224x224xf32, #tpu.memory_space<hbm>> -> memref<224x224xf32, #tpu.memory_space<hbm>>
        tpu.enqueue_dma source(%dma_start3A_42 : memref<224x224xf32, #tpu.memory_space<hbm>>) target(%arg4 : memref<224x224xf32, #tpu.memory_space<vmem>>) target_semaphore(%run_scoped3A : memref<!tpu.dma_semaphore, #tpu.memory_space<semaphore_mem>>)
        %dma_wait3A = arith.constant 0 : i32
        %dma_wait3A_43 = arith.constant 0 : i32
        %dma_wait3A_44 = tpu.memref_slice %arg2[%select_n3A, %mul3A_35, %dma_wait3A, %dma_wait3A_43] : memref<3x64x224x224xf32, #tpu.memory_space<hbm>> -> memref<1x1x224x224xf32, #tpu.memory_space<hbm>>
        %dma_wait3A_45 = tpu.memref_squeeze %dma_wait3A_44 : memref<1x1x224x224xf32, #tpu.memory_space<hbm>> -> memref<224x224xf32, #tpu.memory_space<hbm>>
        %dma_wait3A_46 = arith.constant 0 : i32
        %dma_wait3A_47 = arith.constant 0 : i32
        %dma_wait3A_48 = tpu.memref_slice %arg2[%select_n3A, %mul3A_35, %dma_wait3A_46, %dma_wait3A_47] : memref<3x64x224x224xf32, #tpu.memory_space<hbm>> -> memref<1x1x224x224xf32, #tpu.memory_space<hbm>>
        %dma_wait3A_49 = tpu.memref_squeeze %dma_wait3A_48 : memref<1x1x224x224xf32, #tpu.memory_space<hbm>> -> memref<224x224xf32, #tpu.memory_space<hbm>>
        tpu.wait_dma2 semaphore(%run_scoped3A : memref<!tpu.dma_semaphore, #tpu.memory_space<semaphore_mem>>) src(%dma_wait3A_49 : memref<224x224xf32, #tpu.memory_space<hbm>>) dst(%arg4 : memref<224x224xf32, #tpu.memory_space<vmem>>)
        tpu.yield
      }) : () -> ()
      "tpu.region"() ({
        %run_scoped3A = tpu.sem_alloc : memref<!tpu.dma_semaphore, #tpu.memory_space<semaphore_mem>>
        %dma_start3A = arith.constant 0 : i32
        %dma_start3A_36 = arith.constant 0 : i32
        %dma_start3A_37 = tpu.memref_slice %arg3[%select_n3A, %select_n3A_33, %dma_start3A, %dma_start3A_36] : memref<3x8x224x224xf32, #tpu.memory_space<hbm>> -> memref<1x1x224x224xf32, #tpu.memory_space<hbm>>
        %dma_start3A_38 = tpu.memref_squeeze %dma_start3A_37 : memref<1x1x224x224xf32, #tpu.memory_space<hbm>> -> memref<224x224xf32, #tpu.memory_space<hbm>>
        %dma_start3A_39 = arith.constant 0 : i32
        %dma_start3A_40 = arith.constant 0 : i32
        %dma_start3A_41 = tpu.memref_slice %arg3[%select_n3A, %select_n3A_33, %dma_start3A_39, %dma_start3A_40] : memref<3x8x224x224xf32, #tpu.memory_space<hbm>> -> memref<1x1x224x224xf32, #tpu.memory_space<hbm>>
        %dma_start3A_42 = tpu.memref_squeeze %dma_start3A_41 : memref<1x1x224x224xf32, #tpu.memory_space<hbm>> -> memref<224x224xf32, #tpu.memory_space<hbm>>
        tpu.enqueue_dma source(%arg4 : memref<224x224xf32, #tpu.memory_space<vmem>>) target(%dma_start3A_42 : memref<224x224xf32, #tpu.memory_space<hbm>>) target_semaphore(%run_scoped3A : memref<!tpu.dma_semaphore, #tpu.memory_space<semaphore_mem>>)
        %dma_wait3A = arith.constant 0 : i32
        %dma_wait3A_43 = arith.constant 0 : i32
        %dma_wait3A_44 = tpu.memref_slice %arg3[%select_n3A, %select_n3A_33, %dma_wait3A, %dma_wait3A_43] : memref<3x8x224x224xf32, #tpu.memory_space<hbm>> -> memref<1x1x224x224xf32, #tpu.memory_space<hbm>>
        %dma_wait3A_45 = tpu.memref_squeeze %dma_wait3A_44 : memref<1x1x224x224xf32, #tpu.memory_space<hbm>> -> memref<224x224xf32, #tpu.memory_space<hbm>>
        %dma_wait3A_46 = arith.constant 0 : i32
        %dma_wait3A_47 = arith.constant 0 : i32
        %dma_wait3A_48 = tpu.memref_slice %arg3[%select_n3A, %select_n3A_33, %dma_wait3A_46, %dma_wait3A_47] : memref<3x8x224x224xf32, #tpu.memory_space<hbm>> -> memref<1x1x224x224xf32, #tpu.memory_space<hbm>>
        %dma_wait3A_49 = tpu.memref_squeeze %dma_wait3A_48 : memref<1x1x224x224xf32, #tpu.memory_space<hbm>> -> memref<224x224xf32, #tpu.memory_space<hbm>>
        tpu.wait_dma2 semaphore(%run_scoped3A : memref<!tpu.dma_semaphore, #tpu.memory_space<semaphore_mem>>) src(%arg4 : memref<224x224xf32, #tpu.memory_space<vmem>>) dst(%dma_wait3A_49 : memref<224x224xf32, #tpu.memory_space<hbm>>)
        tpu.yield
      }) : () -> ()
    } else {
    }
    return
  }
}

module attributes {stable_mosaic.version = 14 : i64} {
  func.func @_fast_body(%arg0: i32, %arg1: i32, %arg2: memref<1x32x224x224xf32, #tpu.memory_space<vmem>>, %arg3: memref<1x32x224x224xf32, #tpu.memory_space<vmem>>) attributes {dimension_semantics = [#tpu.dimension_semantics<arbitrary>, #tpu.dimension_semantics<arbitrary>], iteration_bounds = array<i64: 3, 2>, scalar_prefetch = 0 : i64, scratch_operands = 0 : i64, tpu.core_type = #tpu.core_type<tc>, window_params = [{transform_indices = @transform_0, window_bounds = array<i64: 1, 32, 224, 224>}, {transform_indices = @transform_1, window_bounds = array<i64: 1, 32, 224, 224>}]} {
    %get3A = arith.constant 0 : index
    %get3A_0 = arith.constant 0 : index
    %get3A_1 = arith.constant 0 : index
    %get3A_2 = arith.constant 0 : index
    %get3A_3 = vector.load %arg2[%get3A, %get3A_0, %get3A_1, %get3A_2] : memref<1x32x224x224xf32, #tpu.memory_space<vmem>>, vector<1x32x224x224xf32>
    %swap3A = arith.constant 0 : index
    %swap3A_4 = arith.constant 0 : index
    %swap3A_5 = arith.constant 0 : index
    %swap3A_6 = arith.constant 0 : index
    %swap3A_7 = vector.load %arg3[%swap3A, %swap3A_4, %swap3A_5, %swap3A_6] : memref<1x32x224x224xf32, #tpu.memory_space<vmem>>, vector<1x32x224x224xf32>
    tpu.vector_store %arg3[%swap3A, %swap3A_4, %swap3A_5, %swap3A_6], %get3A_3 {strides = array<i32>} : memref<1x32x224x224xf32, #tpu.memory_space<vmem>>, vector<1x32x224x224xf32>,
    return
  }
  func.func @transform_0(%arg0: i32, %arg1: i32) -> (i32, i32, i32, i32) {
    %c0_i32 = arith.constant 0 : i32
    %c0_i32_0 = arith.constant 0 : i32
    %c0_i32_1 = arith.constant 0 : i32
    return %arg0, %arg1, %c0_i32, %c0_i32_0 : i32, i32, i32, i32
  }
  func.func @transform_1(%arg0: i32, %arg1: i32) -> (i32, i32, i32, i32) {
    %c0_i32 = arith.constant 0 : i32
    %c0_i32_0 = arith.constant 0 : i32
    %c0_i32_1 = arith.constant 0 : i32
    return %arg0, %arg1, %c0_i32, %c0_i32_0 : i32, i32, i32, i32
  }
}

</mosaic_0001>

<sc_bundles>
// kernel: kernel.4.cloned.1.call-start
scs
__scs_entry_jumppad:
0x0: {  	(pc) =	sbr.rel $0x88, $3  }
0x1: {  	(tag) =	ssettag $0x0;
	lr =	simm.s32 $0x1  }
0x2: {  	[smem:$0x3FA0] =	sst lr;
	_ =	strace $0xD0000000  }
0x3: {  	_ = 	snop  }
0x4: {  	_ = 	snop  }
0x5: {  	_ = 	snop  }
0x6: {  	_ = 	snop  }
0x7: {  	_ = 	snop  }
__scs_overlays_trampoline_lowered:
0x8: {  	[smem:$0x3FAF] =	sst s0  }
0x9: {  	[smem:$0x3FB0] =	sst s1  }
0xa: {  	[smem:$0x3FB1] =	sst s2  }
0xb: {  	[smem:$0x3FB2] =	sst s3  }
0xc: {  	[smem:$0x3FB3] =	sst s4  }
0xd: {  	[smem:$0x3FB4] =	sst s5  }
0xe: {  	[smem:$0x3FB5] =	sst s6  }
0xf: {  	[smem:$0x3FB6] =	sst s7  }
0x10: {  	[smem:$0x3FB7] =	sst s8  }
0x11: {  	[smem:$0x3FB8] =	sst s9;
	s0 =	simm.s32 @!p0 $0x0  }
0x12: {  	s1 =	sld [smem:$0x3F9E];
	s0 =	simm.s32 @p0 $0x1  }
0x13: {  	[smem:$0x3FB9] =	sst s0;
	s0 =	simm.s32 @!p1 $0x0  }
0x14: {  	s2 =	sld [smem:$0x3F9D];
	s0 =	simm.s32 @p1 $0x1  }
0x15: {  	[smem:$0x3FBA] =	sst s0;
	s0 =	simm.s32 @!p2 $0x0  }
0x16: {  	s3 =	sld [smem:$0x3FDB];
	s0 =	simm.s32 @p2 $0x1  }
0x17: {  	s4 =	simm.s32 $0x1BF5;
	[smem:$0x3FBC] =	sst s0  }
0x18: {  	s0 =	sld [smem:$0x3F9F];
	_ =	swait.ge [sflag:s4], $0x0  }
0x19: {  	s7 =	sld [smem:$0x3FA0]  }
0x1a: {  	s8 =	sadd.s32 $0xFFFFE003, lr  }
0x1b: {  	s9 =	sadd.s32 $0xFFFFFEF7, lr;
	s5 =	simm.s32 $0xFFFFFFFF;
	p2 =	slt.u32 s8, $0xFFFFF086  }
0x1c: {  	p1 =	slt.u32 s9, $0xF7A;
	s5 =	simm.s32 @!p2 $0x0  }
0x1d: {  	s5 =	simm.s32 @p1 $0x1;
	p0 =	seq.s32 s7, s2  }
0x1e: {  	s7 =	smul.u32 @!p0 $0xF7A, s2;
	p2 =	seq.s32 @!p0 s5, $0x0  }
0x1f: {  	s9 =	smul.u32 $0xF7A, s1;
	s8 =	simm.s32 @!p0 $0x1BF5;
	p2 =	por !p2, p0  }
0x20: {  	[sflag:s8] =	ssyncset.s32 @!p0 $0xFFFFF086;
	s6 =	sadd.s32 @!p0 s3, s7;
	s7 =	simm.s32 @!p0 $0x108  }
0x21: {  	s3 =	sadd.s32 s3, s9;
	s6 =	sadd.s32 @!p0 $0x88, s6;
	s7 =	simm.s32 @p2 $0x1082  }
0x22: {  	[simem:s7], [sflag:s8] =	dma.local @!p0 [hbm:s6], $0xF7A  }
0x23: {  	s9 =	sor.u32 $0xD0000000, s2;
	s6 =	simm.s32 $0x108;
	_ =	swait.ge @!p0 [sflag:s8], $0x0  }
0x24: {  	s3 =	sadd.s32 $0x88, s3;
	s6 =	simm.s32 @!p1 $0x1082;
	[sflag:s4] =	ssyncset.s32 $0xFFFFF086  }
0x25: {  	[simem:s6], [sflag:s4] =	dma.local [hbm:s3], $0xF7A  }
0x26: {  	[smem:$0x3FA0] =	sst s1;
	(tag) =	ssettag s2;
	_ =	strace s9  }
0x27: {  	s1 =	sld [smem:$0x3FB0]  }
0x28: {  	s2 =	sld [smem:$0x3FB1]  }
0x29: {  	s4 =	sld [smem:$0x3FB3]  }
0x2a: {  	p0 =	seq.s32 s5, $0x0;
	s5 =	sld [smem:$0x3FB4]  }
0x2b: {  	s6 =	sld [smem:$0x3FB5]  }
0x2c: {  	s7 =	sld [smem:$0x3FB6]  }
0x2d: {  	s3 =	simm.s32 $0x108;
	s8 =	sld [smem:$0x3FB7]  }
0x2e: {  	s3 =	simm.s32 @!p0 $0x1082;
	s9 =	sld [smem:$0x3FB8]  }
0x2f: {  	lr =	sadd.s32 s0, s3;
	s0 =	sld [smem:$0x3FAF]  }
0x30: {  	s3 =	sld [smem:$0x3FB2]  }
0x31: {  	[smem:$0x3FBB] =	sst s10  }
0x32: {  	s10 =	sld [smem:$0x3FB9];
	_ =	sdelay $0x3  }
0x33: {  	p0 =	seq.s32 s10, $0x1;
	s10 =	sld [smem:$0x3FBB];
	_ =	sdelay $0x3  }
0x34: {  	[smem:$0x3FBB] =	sst s10  }
0x35: {  	s10 =	sld [smem:$0x3FBA];
	_ =	sdelay $0x3  }
0x36: {  	p1 =	seq.s32 s10, $0x1;
	s10 =	sld [smem:$0x3FBB];
	_ =	sdelay $0x3  }
0x37: {  	[smem:$0x3FBB] =	sst s10  }
0x38: {  	s10 =	sld [smem:$0x3FBC]  }
0x39: {  	_ = 	snop;
	(pc) =	sbr.ind lr, $3  }
0x3a: {  	_ = 	snop  }
0x3b: {  	_ = 	snop  }
0x3c: {  	p2 =	seq.s32 s10, $0x1;
	s10 =	sld [smem:$0x3FBB]  }
0x3d: {  	_ =	shalt  }
0x3e: {  	_ =	shalt  }
0x3f: {  	_ =	shalt  }
0x40: {  	_ =	shalt  }
0x41: {  	_ =	shalt  }
0x42: {  	_ =	shalt  }
0x43: {  	_ =	shalt  }
0x44: {  	_ =	shalt  }
0x45: {  	_ =	shalt  }
0x46: {  	_ =	shalt  }
0x47: {  	_ =	shalt  }
0x48: {  	_ =	shalt  }
0x49: {  	_ =	shalt  }
0x4a: {  	_ =	shalt  }
0x4b: {  	_ =	shalt  }
0x4c: {  	_ =	shalt  }
0x4d: {  	_ =	shalt  }
0x4e: {  	_ =	shalt  }
0x4f: {  	_ =	shalt  }
0x50: {  	_ =	shalt  }
0x51: {  	_ =	shalt  }
0x52: {  	_ =	shalt  }
0x53: {  	_ =	shalt  }
0x54: {  	_ =	shalt  }
0x55: {  	_ =	shalt  }
0x56: {  	_ =	shalt  }
0x57: {  	_ =	shalt  }
0x58: {  	_ =	shalt  }
0x59: {  	_ =	shalt  }
0x5a: {  	_ =	shalt  }
0x5b: {  	_ =	shalt  }
0x5c: {  	_ =	shalt  }
0x5d: {  	_ =	shalt  }
0x5e: {  	_ =	shalt  }
0x5f: {  	_ =	shalt  }
0x60: {  	_ =	shalt  }
0x61: {  	_ =	shalt  }
0x62: {  	_ =	shalt  }
0x63: {  	_ =	shalt  }
0x64: {  	_ =	shalt  }
0x65: {  	_ =	shalt  }
0x66: {  	_ =	shalt  }
0x67: {  	_ =	shalt  }
0x68: {  	_ =	shalt  }
0x69: {  	_ =	shalt  }
0x6a: {  	_ =	shalt  }
0x6b: {  	_ =	shalt  }
0x6c: {  	_ =	shalt  }
0x6d: {  	_ =	shalt  }
0x6e: {  	_ =	shalt  }
0x6f: {  	_ =	shalt  }
0x70: {  	_ =	shalt  }
0x71: {  	_ =	shalt  }
0x72: {  	_ =	shalt  }
0x73: {  	_ =	shalt  }
0x74: {  	_ =	shalt  }
0x75: {  	_ =	shalt  }
0x76: {  	_ =	shalt  }
0x77: {  	_ =	shalt  }
0x78: {  	_ =	shalt  }
0x79: {  	_ =	shalt  }
0x7a: {  	_ =	shalt  }
0x7b: {  	_ =	shalt  }
0x7c: {  	_ =	shalt  }
0x7d: {  	_ =	shalt  }
0x7e: {  	_ =	shalt  }
0x7f: {  	_ =	shalt  }
0x80: {  	_ =	shalt  }
0x81: {  	_ =	shalt  }
0x82: {  	_ =	shalt  }
0x83: {  	_ =	shalt  }
0x84: {  	_ =	shalt  }
0x85: {  	_ =	shalt  }
0x86: {  	_ =	shalt  }
0x87: {  	_ =	shalt  }
.Lfunc_end0:
.L_simem_size_0:
called_computation_lowered:
.L_overlay_start_0:
0x88: {  	s2 =	sld [smem:$0x3FD9]  }
0x89: {  	s3 =	sld [smem:$0x3FFE];
	_ =	sdelay $0x1  }
0x8a: {  	s1 =	srdreg.scid  }
0x8b: {  	s0 =	sand.u32 $0x1, s1  }
0x8c: {  	s15 =	sshll.u32 s0, $0xA;
	s2 =	sadd.s32 s3, s2  }
0x8d: {  	s2 =	sadd.s32 s2, s15  }
0x8e: {  	[smem:$0x3FC7] =	sst s2  }
0x8f: {  	_ = 	snop  }
0x90: {  	s2 =	sld [smem:$0x3FD0];
	_ =	sdelay $0x2  }
0x91: {  	s4 =	simm.s32 $0xA;
	s5 =	simm.s32 $0x10;
	s16 =	sld [smem:$0x3FC9]  }
0x92: {  	[smem:s5], [sflag:s4] =	dma.local [hbm:s2], $0x1  }
0x93: {  	_ =	swait.eq [sflag:s4], $0x1  }
0x94: {  	[sflag:s4] =	ssyncset.done $0x0  }
0x95: {  	[sflag:s4] =	ssyncadd.s32 $0xFFFFFFFF  }
0x96: {  	s17 =	sld [smem:$0x10];
	(tm) =	ssettm $0x1  }
0x97: {  	s18 =	sld [smem:$0x3FFB];
	_ =	sdelay $0x3  }
0x98: {  	_ =	strace s18  }
0x99: {  	s4 =	sld [smem:$0x3FFC];
	_ =	sdelay $0x3  }
0x9a: {  	_ =	strace s4  }
0x9b: {  	s4 =	sld [smem:$0x3FFD];
	_ =	sdelay $0x3  }
0x9c: {  	_ =	strace s4  }
0x9d: {  	_ =	strace $0x8FFFFFFF  }
0x9e: {  	s19 =	sld [smem:$0x3FDB];
	_ =	sdelay $0x1  }
0x9f: {  	s20 =	simm.s32 $_scs_section_size  }
0xa0: {  	s6 =	simm.s32 $_size__tile_overlayer_lowered;
	s7 =	simm.s32 $_tile_overlayer_lowered  }
0xa1: {  	s23 =	simm.s32 $0x1BFF;
	s22 =	sshll.u32 s7, $0x1;
	s4 =	sadd.s32 s20, s19  }
0xa2: {  	s8 =	simm.s32 $0x0;
	s21 =	sshll.u32 s6, $0x1;
	s6 =	sadd.s32 s22, s4  }
0xa3: {  	[timem:s8], [sflag:s23] =	dma.local [hbm:s6], s21  }
0xa4: {  	_ =	swait.ge [sflag:s23], s21  }
0xa5: {  	s5 =	ssub.s32 $0x0, s21;
	[sflag:s23] =	ssyncset.done $0x0  }
0xa6: {  	[sflag:s23] =	ssyncadd.s32 s5;
	_ =	sdelay $0x1  }
0xa7: {  	s24 =	simm.s32 $0x1B8B  }
0xa8: {  	_ =	swait.ge [sflag:s24], $0x1  }
0xa9: {  	[sflag:s24] =	ssyncset.done $0x0  }
0xaa: {  	s25 =	simm.s32 $0x1B8E;
	[sflag:s24] =	ssyncadd.s32 $0xFFFFFFFF  }
0xab: {  	s26 =	simm.s32 $execute0_lowered;
	[smem:$0x3FD2] =	sst s25  }
0xac: {  	s5 =	sshll.u32 s26, $0x1;
	_ =	strace $0x80000046;
	[dreg:$0x1] =	wrdreg $0xFFFFFFFF  }
0xad: {  	s28 =	simm.s32 $_size_execute0_lowered;
	s4 =	sadd.s32 s4, s5;
	[dreg:$0x0] =	wrdreg $0x0  }
0xae: {  	s5 =	sshll.u32 s28, $0x1;
	[dreg:$0x2] =	wrdreg s4  }
0xaf: {  	[dreg:$0x3] =	wrdreg s5  }
0xb0: {  	[dreg:$0x4] =	wrdreg $0xC0  }
0xb1: {  	_ =	task [dreg:s8], $0x5FFFF  }
0xb2: {  	[dreg:$0x1] =	wrdreg $0xFFFFFFFF  }
0xb3: {  	[dreg:$0x0] =	wrdreg $0x60  }
0xb4: {  	[dreg:$0x2] =	wrdreg s16  }
0xb5: {  	[dreg:$0x3] =	wrdreg s17  }
0xb6: {  	[dreg:$0x4] =	wrdreg $0x9  }
0xb7: {  	_ =	task.clear_ibuf [dreg:s8], $0x5FFFF;
	_ =	strace $0x90000046  }
0xb8: {  	s29 =	simm.s32 $0x9;
	_ =	strace $0x80000048  }
0xb9: {  	_ =	swait.ge [sflag:s29], $0x1  }
0xba: {  	[sflag:s29] =	ssyncadd.s32 $0xFFFFFFFF  }
0xbb: {  	_ =	strace $0x90000048  }
0xbc: {  	_ =	sfence  }
0xbd: {  	s30 =	sld [smem:$0x0];
	_ =	sdelay $0x2  }
0xbe: {  	s31 =	sshll.u32 s1, $0xD;
	s1 =	sshrl.u32 s1, $0x2  }
0xbf: {  	s3 =	sand.u32 $0x4000, s31;
	s1 =	sadd.s32 s1, s30  }
0xc0: {  	s0 =	sor.u32 s3, s0;
	s1 =	sshll.u32 s1, $0x11  }
0xc1: {  	s0 =	sor.u32 s1, s0  }
0xc2: {  	s0 =	sadd.s32 $0x8F2B, s0  }
0xc3: {  	[sflag:s0] =	ssyncadd.remote.s32 $0x1  }
0xc4: {  	_ =	sfence.sel $0xFFFF  }
0xc5: {  	[dreg:$0x0] =	wrdreg $0xFFFFFFFF;
	(pc) =	sbr.abs _section_cstart, $3  }
0xc6: {  	[dreg:$0x1] =	wrdreg $0xFFFFFFFF  }
0xc7: {  	_ =	task.clear_ibuf [dreg:s8], $0x2FFFF;
	_ =	strace $0x9FFFFFFF  }
0xc8: {  	(tm) =	ssettm $0x7FFFFFFF  }
0xc9: {  	_ =	shalt  }
tec
execute0_lowered:
.L_overlay_start_1:
0x0: {  	(tag) =	ssettag $0x1  }
0x1: {  	s1 =	stileid.u32  }
0x2: {  	p0 =	sgt.u32 s1, $0xB  }
.Ltmp0:
0x3: {  	_ = 	snop;
	(pc) =	sbr.rel @p0 .LBB2_4-.Ltmp0, $4  }
0x4: {  	s3 =	rddreg [dreg:$0x0]  }
0x5: {  	s5 =	rddreg [dreg:$0x1];
	s2 =	simm.s32 $0x0  }
0x6: {  	[smem:$0x7FF] =	sst s2  }
0x7: {  	s0 =	rddreg [dreg:$0x2];
	_ =	strace $0x80000047  }
0x8: {  	s4 =	srdreg.scid;
	s6 =	sshll.u32 s1, $0x1;
	s7 =	sshrl.u32 s1, $0x2  }
0x9: {  	s4 =	sand.u32 $0x1, s4;
	s6 =	sand.u32 $0x6, s6;
	s9 =	smul.u32 $0x380000, s7  }
0xa: {  	s7 =	smul.u32 $0x70000, s7;
	s6 =	sor.u32 s4, s6  }
0xb: {  	s8 =	smul.u32 $0x7E000, s6  }
0xc: {  	s29 =	ssub.s32 $0x2, s4;
	s6 =	smul.u32 $0xE000, s6  }
0xd: {  	s30 =	sshrl.u32 s29, $0x1;
	s8 =	sadd.s32 s9, s8  }
0xe: {  	s6 =	sadd.s32 s7, s6;
	s7 =	ssub.s32 s29, s30;
	s8 =	sshrl.u32 s8, $0x3  }
0xf: {  	s31 =	smax.u32 s7, $0x1;
	s4 =	sadd.s32 s3, s8;
	s3 =	simm.s32 $0x1  }
0x10: {  	[tilespmem:s2], [sflag:$0x1] =	stream.linear.gather [hbm4b:s4+s2], $0xE000, $0x38;
	[tilespmem:$0xE000] =	vst v63  }
0x11: {  	p0 =	sne.s32 s31, $0x1;
	_ =	swait.ge [sflag:s3], $0xE000  }
.Ltmp1:
0x12: {  	s6 =	sshrl.u32 s6, $0x3;
	[sflag:s3] =	ssyncset.done $0x0;
	(pc) =	sbr.rel @!p0 .LBB2_3-.Ltmp1, $4  }
0x13: {  	s5 =	sadd.s32 s5, s6;
	[sflag:s3] =	ssyncadd.s32 $0xFFFF2000  }
0x14: {  	[hbm4b:s5+s2] =	stream.linear.scatter [tilespmem:s2], [sflag:$0x1], $0xE000, $0x38;
	[tilespmem:$0xE000] =	vst v63  }
0x15: {  	_ =	swait.ge [sflag:s3], $0xE000  }
0x16: {  	s6 =	sadd.s32 $0xFFFFFFFF, s31;
	[sflag:s3] =	ssyncset.done $0x0  }
.LBB2_2:
0x17: {  	p0 =	sne.s32 s6, $0x1;
	s6 =	sadd.s32 $0xFFFFFFFF, s6;
	[sflag:s3] =	ssyncadd.s32 $0xFFFF2000  }
0x18: {  	[tilespmem:s2], [sflag:$0x1] =	stream.linear.gather [hbm4b:s4+s2], $0xE000, $0x38;
	[tilespmem:$0xE000] =	vst v63  }
0x19: {  	_ =	swait.ge [sflag:s3], $0xE000  }
.Ltmp2:
0x1a: {  	[sflag:s3] =	ssyncset.done $0x0;
	(pc) =	sbr.rel @p0 .LBB2_2-.Ltmp2, $4  }
0x1b: {  	[sflag:s3] =	ssyncadd.s32 $0xFFFF2000  }
0x1c: {  	[hbm4b:s5+s2] =	stream.linear.scatter [tilespmem:s2], [sflag:$0x1], $0xE000, $0x38;
	[tilespmem:$0xE000] =	vst v63  }
0x1d: {  	_ =	swait.ge [sflag:s3], $0xE000  }
0x1e: {  	[sflag:s3] =	ssyncset.done $0x0  }
.LBB2_3:
0x1f: {  	[sflag:s3] =	ssyncadd.s32 $0xFFFF2000  }
.LBB2_4:
0x20: {  	_ =	sfence.sel $0x180000  }
0x21: {  	[bflag:$0x0] =	sbarrier.arrive $0xFFFF  }
0x22: {  	p0 =	sne.s32 s1, $0x0;
	_ =	strace $0x90000047  }
0x23: {  	s0 =	sadd.s32 @!p0 $0x100000, s0;
	[bflag:$0x2] =	sbarrier.arrive $0xFFFF  }
0x24: {  	[sflag:s0] =	ssyncadd.tile.s32 @!p0 $0x1;
	_ =	shalt  }
.Lfunc_end2:
_tile_overlayer_lowered:
.L_overlay_start_2:
0x25: {  	(tag) =	ssettag $0x2  }
0x26: {  	s0 =	rddreg [dreg:$0x0];
	s2 =	stileid.u32  }
0x27: {  	s1 =	rddreg [dreg:$0x1];
	p0 =	sne.s32 s2, $0x0  }
0x28: {  	s3 =	rddreg [dreg:$0x2];
	[bflag:$0x3] =	sbarrier.arrive $0xFFFF;
	s2 =	simm.s32 @!p0 $0x1C01  }
0x29: {  	[timem:s3], [sflag:s2] =	dma.local @!p0 [hbm:s0], s1  }
0x2a: {  	s0 =	simm.s32 @!p0 $0x1  }
0x2b: {  	_ =	swait.ge @!p0 [sflag:s0], s1  }
0x2c: {  	s1 =	ssub.s32 @!p0 $0x0, s1;
	[sflag:s0] =	ssyncset.done @!p0 $0x0  }
0x2d: {  	[sflag:s0] =	ssyncadd.s32 @!p0 s1  }
0x2e: {  	[bflag:$0x3] =	sbarrier.arrive $0xFFFF  }
0x2f: {  	_ =	shalt  }

</sc_bundles>
